<compile_context>
chip_gen: v7x
topology: tpu7x:2x2x1
jax: 0.10.2.dev20260603
libtpu: 0.0.44.dev20260713+nightly
codegen_flags: <defaults>
</compile_context>

<pallas_src>
import jax
import jax.numpy as jnp
from jax import lax
from jax.experimental import pallas as pl
from jax.experimental.pallas import tpu as pltpu
from jax.experimental.pallas import tpu_sc as plsc

B = 16384
D = 128
L = 16
NC = 2
NS = 16
NW = NC * NS
BPW = B // NW
C = 128
NCHUNK = BPW // C
NREL = 1000
DW = D // 2


def _sc_body(head_hbm, relidx_hbm, tail_hbm, ent_hbm, relf_hbm, out_hbm,
             idx_h, idx_r, idx_t, hbuf, rbuf, tbuf, out_v, sem_a):
    wid = lax.axis_index("s") * NC + lax.axis_index("c")
    base = wid * BPW
    lanes = lax.iota(jnp.int32, L)

    pltpu.async_copy(head_hbm.at[pl.ds(base, BPW)], idx_h, sem_a)
    pltpu.async_copy(relidx_hbm.at[pl.ds(base, BPW)], idx_r, sem_a)
    pltpu.async_copy(tail_hbm.at[pl.ds(base, BPW)], idx_t, sem_a)
    pltpu.make_async_copy(head_hbm.at[pl.ds(base, BPW)], idx_h, sem_a).wait()
    pltpu.make_async_copy(relidx_hbm.at[pl.ds(base, BPW)], idx_r, sem_a).wait()
    pltpu.make_async_copy(tail_hbm.at[pl.ds(base, BPW)], idx_t, sem_a).wait()

    def fire(c, slot):
        pltpu.async_copy(ent_hbm.at[idx_h.at[pl.ds(c * C, C)]],
                         hbuf.at[slot], sem_a)
        pltpu.async_copy(relf_hbm.at[idx_r.at[pl.ds(c * C, C)]],
                         rbuf.at[slot], sem_a)
        pltpu.async_copy(ent_hbm.at[idx_t.at[pl.ds(c * C, C)]],
                         tbuf.at[slot], sem_a)

    fire(0, 0)

    def step(c, carry):
        slot = jnp.bitwise_and(c, 1)
        pltpu.make_async_copy(ent_hbm.at[idx_h.at[pl.ds(c * C, C)]],
                              hbuf.at[slot], sem_a).wait()
        pltpu.make_async_copy(relf_hbm.at[idx_r.at[pl.ds(c * C, C)]],
                              rbuf.at[slot], sem_a).wait()
        pltpu.make_async_copy(ent_hbm.at[idx_t.at[pl.ds(c * C, C)]],
                              tbuf.at[slot], sem_a).wait()

        @pl.when(c + 1 < NCHUNK)
        def _():
            fire(c + 1, jnp.bitwise_and(c + 1, 1))

        h_ref = hbuf.at[slot]
        r_ref = rbuf.at[slot]
        t_ref = tbuf.at[slot]
        out_base = c * C

        def grp(g, carry2):
            def inner(l, score):
                e = g * L + l
                acc = jnp.zeros((L,), jnp.float32)
                for j in range(D // L):
                    hv = h_ref[e, pl.ds(j * L, L)]
                    rv = r_ref[e, pl.ds(j * L, L)]
                    tv = t_ref[e, pl.ds(j * L, L)]
                    acc = acc + hv * rv * tv
                s = jnp.sum(acc)
                return jnp.where(lanes == l, s, score)

            score = lax.fori_loop(0, L, inner, jnp.zeros((L,), jnp.float32))
            out_v[pl.ds(out_base + g * L, L)] = score
            return carry2

        lax.fori_loop(0, C // L, grp, 0)
        return carry

    lax.fori_loop(0, NCHUNK, step, 0)

    pltpu.sync_copy(out_v, out_hbm.at[pl.ds(base, BPW)])


def kernel(head, relation, tail, entity_embeddings, relation_embeddings):
    mesh = plsc.VectorSubcoreMesh(core_axis_name="c", subcore_axis_name="s",
                                  num_cores=NC, num_subcores=NS)
    kfn = pl.kernel(
        _sc_body,
        out_type=jax.ShapeDtypeStruct((B,), jnp.float32),
        mesh=mesh,
        compiler_params=pltpu.CompilerParams(needs_layout_passes=False),
        scratch_types=[
            pltpu.VMEM((BPW,), jnp.int32),
            pltpu.VMEM((BPW,), jnp.int32),
            pltpu.VMEM((BPW,), jnp.int32),
            pltpu.VMEM((2, C, D), jnp.float32),
            pltpu.VMEM((2, C, D), jnp.float32),
            pltpu.VMEM((2, C, D), jnp.float32),
            pltpu.VMEM((BPW,), jnp.float32),
            pltpu.SemaphoreType.DMA,
        ],
    )
    return kfn(head, relation, tail, entity_embeddings, relation_embeddings)

# --- scband reference (transcript-rebuilt; emitter-appended) ---
"""Pipeline reference for scband-kgmodel-90271622627871 (READ-ONLY COPY).

The authoritative reference and input builder live on the scoring server;
editing this copy changes nothing except your own understanding.
"""

import jax, jax.numpy as jnp
import numpy as np

NUM_ENTITIES = 100000
NUM_RELATIONS = 1000
EMBED_DIM = 128
BATCH = 16384


def _xavier_uniform(key, shape):
    fan_in, fan_out = shape[0], shape[1]
    limit = float(np.sqrt(6.0 / (fan_in + fan_out)))
    return jax.random.uniform(key, shape, dtype=jnp.float32, minval=-limit, maxval=limit)


def setup_inputs(seed: int = 0) -> dict:
    key = jax.random.key(seed)
    k_ent, k_rel, k_h, k_r, k_t = jax.random.split(key, 5)
    entity_embeddings = _xavier_uniform(k_ent, (NUM_ENTITIES, EMBED_DIM))
    relation_embeddings = _xavier_uniform(k_rel, (NUM_RELATIONS, EMBED_DIM))
    head = jax.random.randint(k_h, (BATCH,), 0, NUM_ENTITIES, dtype=jnp.int64) if jax.config.jax_enable_x64 else jax.random.randint(k_h, (BATCH,), 0, NUM_ENTITIES).astype(jnp.int32)
    relation = jax.random.randint(k_r, (BATCH,), 0, NUM_RELATIONS).astype(jnp.int32)
    tail = jax.random.randint(k_t, (BATCH,), 0, NUM_ENTITIES).astype(jnp.int32)
    head = head.astype(jnp.int32)
    return {
        "head": head,
        "relation": relation,
        "tail": tail,
        "entity_embeddings": entity_embeddings,
        "relation_embeddings": relation_embeddings,
    }


def reference(head, relation, tail, entity_embeddings, relation_embeddings):
    # DistMult: score = sum(h * r * t, dim=-1)
    h = jnp.take(entity_embeddings, head, axis=0)
    r = jnp.take(relation_embeddings, relation, axis=0)
    t = jnp.take(entity_embeddings, tail, axis=0)
    score = jnp.sum(h * r * t, axis=1)
    return score

if __name__ == "__main__":
    import jax
    _d = setup_inputs()
    print(jax.jit(kernel)(*tuple(_d.values())))

</pallas_src>

<mosaic_0001>
#map = affine_map<(d0, d1) -> (0)>
#map1 = affine_map<(d0, d1) -> (0, 0)>
module attributes {stable_mosaic.version = 14 : i64} {
  func.func @_sc_body(%arg0: i32, %arg1: i32, %arg2: memref<16384xi32, #tpu.memory_space<hbm>>, %arg3: memref<16384xi32, #tpu.memory_space<hbm>>, %arg4: memref<16384xi32, #tpu.memory_space<hbm>>, %arg5: memref<100000x128xf32, #tpu.memory_space<hbm>>, %arg6: memref<1000x128xf32, #tpu.memory_space<hbm>>, %arg7: memref<16384xf32, #tpu.memory_space<hbm>>, %arg8: memref<512xi32, #tpu.memory_space<vmem>>, %arg9: memref<512xi32, #tpu.memory_space<vmem>>, %arg10: memref<512xi32, #tpu.memory_space<vmem>>, %arg11: memref<2x128x128xf32, #tpu.memory_space<vmem>>, %arg12: memref<2x128x128xf32, #tpu.memory_space<vmem>>, %arg13: memref<2x128x128xf32, #tpu.memory_space<vmem>>, %arg14: memref<512xf32, #tpu.memory_space<vmem>>, %arg15: memref<!tpu.dma_semaphore, #tpu.memory_space<semaphore_mem>>) attributes {dimension_semantics = [#tpu.dimension_semantics<core_parallel>, #tpu.dimension_semantics<subcore_parallel>], iteration_bounds = array<i64: 2, 16>, scalar_prefetch = 0 : i64, scratch_operands = 8 : i64, tpu.core_type = #tpu.core_type<sc_vector_subcore>, window_params = [{transform_indices = #map}, {transform_indices = #map}, {transform_indices = #map}, {transform_indices = #map1}, {transform_indices = #map1}, {transform_indices = #map}]} {
    %mul3A = arith.constant 2 : i32
    %mul3A_0 = arith.muli %arg1, %mul3A : i32
    %add3A = arith.addi %mul3A_0, %arg0 : i32
    %mul3A_1 = arith.constant 512 : i32
    %mul3A_2 = arith.muli %add3A, %mul3A_1 : i32
    %iota3A = tpu.iota {dimensions = array<i32: 0>} : vector<16xi32>
    %dma_start3A = tpu.memref_slice %arg2[%mul3A_2] : memref<16384xi32, #tpu.memory_space<hbm>> -> memref<512xi32, #tpu.memory_space<hbm>>
    %dma_start3A_3 = tpu.memref_slice %arg2[%mul3A_2] : memref<16384xi32, #tpu.memory_space<hbm>> -> memref<512xi32, #tpu.memory_space<hbm>>
    tpu.enqueue_dma source(%dma_start3A_3 : memref<512xi32, #tpu.memory_space<hbm>>) target(%arg8 : memref<512xi32, #tpu.memory_space<vmem>>) target_semaphore(%arg15 : memref<!tpu.dma_semaphore, #tpu.memory_space<semaphore_mem>>)
    %dma_start3A_4 = tpu.memref_slice %arg3[%mul3A_2] : memref<16384xi32, #tpu.memory_space<hbm>> -> memref<512xi32, #tpu.memory_space<hbm>>
    %dma_start3A_5 = tpu.memref_slice %arg3[%mul3A_2] : memref<16384xi32, #tpu.memory_space<hbm>> -> memref<512xi32, #tpu.memory_space<hbm>>
    tpu.enqueue_dma source(%dma_start3A_5 : memref<512xi32, #tpu.memory_space<hbm>>) target(%arg9 : memref<512xi32, #tpu.memory_space<vmem>>) target_semaphore(%arg15 : memref<!tpu.dma_semaphore, #tpu.memory_space<semaphore_mem>>)
    %dma_start3A_6 = tpu.memref_slice %arg4[%mul3A_2] : memref<16384xi32, #tpu.memory_space<hbm>> -> memref<512xi32, #tpu.memory_space<hbm>>
    %dma_start3A_7 = tpu.memref_slice %arg4[%mul3A_2] : memref<16384xi32, #tpu.memory_space<hbm>> -> memref<512xi32, #tpu.memory_space<hbm>>
    tpu.enqueue_dma source(%dma_start3A_7 : memref<512xi32, #tpu.memory_space<hbm>>) target(%arg10 : memref<512xi32, #tpu.memory_space<vmem>>) target_semaphore(%arg15 : memref<!tpu.dma_semaphore, #tpu.memory_space<semaphore_mem>>)
    %dma_wait3A = tpu.memref_slice %arg2[%mul3A_2] : memref<16384xi32, #tpu.memory_space<hbm>> -> memref<512xi32, #tpu.memory_space<hbm>>
    %dma_wait3A_8 = tpu.memref_slice %arg2[%mul3A_2] : memref<16384xi32, #tpu.memory_space<hbm>> -> memref<512xi32, #tpu.memory_space<hbm>>
    tpu.wait_dma2 semaphore(%arg15 : memref<!tpu.dma_semaphore, #tpu.memory_space<semaphore_mem>>) src(%dma_wait3A_8 : memref<512xi32, #tpu.memory_space<hbm>>) dst(%arg8 : memref<512xi32, #tpu.memory_space<vmem>>)
    %dma_wait3A_9 = tpu.memref_slice %arg3[%mul3A_2] : memref<16384xi32, #tpu.memory_space<hbm>> -> memref<512xi32, #tpu.memory_space<hbm>>
    %dma_wait3A_10 = tpu.memref_slice %arg3[%mul3A_2] : memref<16384xi32, #tpu.memory_space<hbm>> -> memref<512xi32, #tpu.memory_space<hbm>>
    tpu.wait_dma2 semaphore(%arg15 : memref<!tpu.dma_semaphore, #tpu.memory_space<semaphore_mem>>) src(%dma_wait3A_10 : memref<512xi32, #tpu.memory_space<hbm>>) dst(%arg9 : memref<512xi32, #tpu.memory_space<vmem>>)
    %dma_wait3A_11 = tpu.memref_slice %arg4[%mul3A_2] : memref<16384xi32, #tpu.memory_space<hbm>> -> memref<512xi32, #tpu.memory_space<hbm>>
    %dma_wait3A_12 = tpu.memref_slice %arg4[%mul3A_2] : memref<16384xi32, #tpu.memory_space<hbm>> -> memref<512xi32, #tpu.memory_space<hbm>>
    tpu.wait_dma2 semaphore(%arg15 : memref<!tpu.dma_semaphore, #tpu.memory_space<semaphore_mem>>) src(%dma_wait3A_12 : memref<512xi32, #tpu.memory_space<hbm>>) dst(%arg10 : memref<512xi32, #tpu.memory_space<vmem>>)
    %dma_start3A_13 = arith.constant 0 : i32
    %dma_start3A_14 = arith.constant 0 : i32
    %dma_start3A_15 = arith.constant 0 : i32
    %dma_start3A_16 = tpu.memref_slice %arg11[%dma_start3A_13, %dma_start3A_14, %dma_start3A_15] : memref<2x128x128xf32, #tpu.memory_space<vmem>> -> memref<1x128x128xf32, #tpu.memory_space<vmem>>
    %dma_start3A_17 = tpu.memref_squeeze %dma_start3A_16 : memref<1x128x128xf32, #tpu.memory_space<vmem>> -> memref<128x128xf32, #tpu.memory_space<vmem>>
    %dma_start3A_18 = arith.constant 0 : i32
    %dma_start3A_19 = tpu.memref_slice %arg8[%dma_start3A_18] : memref<512xi32, #tpu.memory_space<vmem>> -> memref<128xi32, #tpu.memory_space<vmem>>
    %dma_start3A_20 = arith.constant 0 : i32
    %dma_start3A_21 = arith.constant 0 : i32
    %dma_start3A_22 = tpu.memref_slice %arg5[%dma_start3A_20, %dma_start3A_21] : memref<100000x128xf32, #tpu.memory_space<hbm>> -> memref<100000x128xf32, #tpu.memory_space<hbm>>
    tpu.enqueue_indirect_dma source(%dma_start3A_22 : memref<100000x128xf32, #tpu.memory_space<hbm>>) target(%dma_start3A_17 : memref<128x128xf32, #tpu.memory_space<vmem>>) offsets(%dma_start3A_19 : memref<128xi32, #tpu.memory_space<vmem>>) semaphore(%arg15 : memref<!tpu.dma_semaphore, #tpu.memory_space<semaphore_mem>>)
    %dma_start3A_23 = arith.constant 0 : i32
    %dma_start3A_24 = arith.constant 0 : i32
    %dma_start3A_25 = arith.constant 0 : i32
    %dma_start3A_26 = tpu.memref_slice %arg12[%dma_start3A_23, %dma_start3A_24, %dma_start3A_25] : memref<2x128x128xf32, #tpu.memory_space<vmem>> -> memref<1x128x128xf32, #tpu.memory_space<vmem>>
    %dma_start3A_27 = tpu.memref_squeeze %dma_start3A_26 : memref<1x128x128xf32, #tpu.memory_space<vmem>> -> memref<128x128xf32, #tpu.memory_space<vmem>>
    %dma_start3A_28 = arith.constant 0 : i32
    %dma_start3A_29 = tpu.memref_slice %arg9[%dma_start3A_28] : memref<512xi32, #tpu.memory_space<vmem>> -> memref<128xi32, #tpu.memory_space<vmem>>
    %dma_start3A_30 = arith.constant 0 : i32
    %dma_start3A_31 = arith.constant 0 : i32
    %dma_start3A_32 = tpu.memref_slice %arg6[%dma_start3A_30, %dma_start3A_31] : memref<1000x128xf32, #tpu.memory_space<hbm>> -> memref<1000x128xf32, #tpu.memory_space<hbm>>
    tpu.enqueue_indirect_dma source(%dma_start3A_32 : memref<1000x128xf32, #tpu.memory_space<hbm>>) target(%dma_start3A_27 : memref<128x128xf32, #tpu.memory_space<vmem>>) offsets(%dma_start3A_29 : memref<128xi32, #tpu.memory_space<vmem>>) semaphore(%arg15 : memref<!tpu.dma_semaphore, #tpu.memory_space<semaphore_mem>>)
    %dma_start3A_33 = arith.constant 0 : i32
    %dma_start3A_34 = arith.constant 0 : i32
    %dma_start3A_35 = arith.constant 0 : i32
    %dma_start3A_36 = tpu.memref_slice %arg13[%dma_start3A_33, %dma_start3A_34, %dma_start3A_35] : memref<2x128x128xf32, #tpu.memory_space<vmem>> -> memref<1x128x128xf32, #tpu.memory_space<vmem>>
    %dma_start3A_37 = tpu.memref_squeeze %dma_start3A_36 : memref<1x128x128xf32, #tpu.memory_space<vmem>> -> memref<128x128xf32, #tpu.memory_space<vmem>>
    %dma_start3A_38 = arith.constant 0 : i32
    %dma_start3A_39 = tpu.memref_slice %arg10[%dma_start3A_38] : memref<512xi32, #tpu.memory_space<vmem>> -> memref<128xi32, #tpu.memory_space<vmem>>
    %dma_start3A_40 = arith.constant 0 : i32
    %dma_start3A_41 = arith.constant 0 : i32
    %dma_start3A_42 = tpu.memref_slice %arg5[%dma_start3A_40, %dma_start3A_41] : memref<100000x128xf32, #tpu.memory_space<hbm>> -> memref<100000x128xf32, #tpu.memory_space<hbm>>
    tpu.enqueue_indirect_dma source(%dma_start3A_42 : memref<100000x128xf32, #tpu.memory_space<hbm>>) target(%dma_start3A_37 : memref<128x128xf32, #tpu.memory_space<vmem>>) offsets(%dma_start3A_39 : memref<128xi32, #tpu.memory_space<vmem>>) semaphore(%arg15 : memref<!tpu.dma_semaphore, #tpu.memory_space<semaphore_mem>>)
    %scan3A = arith.constant 0 : i32
    %scan3A_43 = arith.constant 0 : i32
    %scan3A_44 = arith.constant 4 : i32
    %scan3A_45 = arith.addi %scan3A_43, %scan3A_44 : i32
    %scan3A_46 = arith.constant 1 : i32
    scf.for %scan3A_48 = %scan3A_43 to %scan3A_45 step %scan3A_46  : i32 {
      %and3A = arith.constant 1 : i32
      %and3A_49 = arith.andi %scan3A_48, %and3A : i32
      %mul3A_50 = arith.constant 128 : i32
      %mul3A_51 = arith.muli %scan3A_48, %mul3A_50 : i32
      %dma_wait3A_52 = arith.constant 0 : i32
      %dma_wait3A_53 = arith.constant 0 : i32
      %dma_wait3A_54 = tpu.memref_slice %arg11[%and3A_49, %dma_wait3A_52, %dma_wait3A_53] : memref<2x128x128xf32, #tpu.memory_space<vmem>> -> memref<1x128x128xf32, #tpu.memory_space<vmem>>
      %dma_wait3A_55 = tpu.memref_squeeze %dma_wait3A_54 : memref<1x128x128xf32, #tpu.memory_space<vmem>> -> memref<128x128xf32, #tpu.memory_space<vmem>>
      %dma_wait3A_56 = tpu.memref_slice %arg8[%mul3A_51] : memref<512xi32, #tpu.memory_space<vmem>> -> memref<128xi32, #tpu.memory_space<vmem>>
      %dma_wait3A_57 = arith.constant 0 : i32
      %dma_wait3A_58 = arith.constant 0 : i32
      %dma_wait3A_59 = tpu.memref_slice %arg5[%dma_wait3A_57, %dma_wait3A_58] : memref<100000x128xf32, #tpu.memory_space<hbm>> -> memref<100000x128xf32, #tpu.memory_space<hbm>>
      tpu.wait_indirect_dma semaphore(%arg15 : memref<!tpu.dma_semaphore, #tpu.memory_space<semaphore_mem>>) src(%dma_wait3A_59 : memref<100000x128xf32, #tpu.memory_space<hbm>>) dst(%dma_wait3A_55 : memref<128x128xf32, #tpu.memory_space<vmem>>)
      %mul3A_60 = arith.constant 128 : i32
      %mul3A_61 = arith.muli %scan3A_48, %mul3A_60 : i32
      %dma_wait3A_62 = arith.constant 0 : i32
      %dma_wait3A_63 = arith.constant 0 : i32
      %dma_wait3A_64 = tpu.memref_slice %arg12[%and3A_49, %dma_wait3A_62, %dma_wait3A_63] : memref<2x128x128xf32, #tpu.memory_space<vmem>> -> memref<1x128x128xf32, #tpu.memory_space<vmem>>
      %dma_wait3A_65 = tpu.memref_squeeze %dma_wait3A_64 : memref<1x128x128xf32, #tpu.memory_space<vmem>> -> memref<128x128xf32, #tpu.memory_space<vmem>>
      %dma_wait3A_66 = tpu.memref_slice %arg9[%mul3A_61] : memref<512xi32, #tpu.memory_space<vmem>> -> memref<128xi32, #tpu.memory_space<vmem>>
      %dma_wait3A_67 = arith.constant 0 : i32
      %dma_wait3A_68 = arith.constant 0 : i32
      %dma_wait3A_69 = tpu.memref_slice %arg6[%dma_wait3A_67, %dma_wait3A_68] : memref<1000x128xf32, #tpu.memory_space<hbm>> -> memref<1000x128xf32, #tpu.memory_space<hbm>>
      tpu.wait_indirect_dma semaphore(%arg15 : memref<!tpu.dma_semaphore, #tpu.memory_space<semaphore_mem>>) src(%dma_wait3A_69 : memref<1000x128xf32, #tpu.memory_space<hbm>>) dst(%dma_wait3A_65 : memref<128x128xf32, #tpu.memory_space<vmem>>)
      %mul3A_70 = arith.constant 128 : i32
      %mul3A_71 = arith.muli %scan3A_48, %mul3A_70 : i32
      %dma_wait3A_72 = arith.constant 0 : i32
      %dma_wait3A_73 = arith.constant 0 : i32
      %dma_wait3A_74 = tpu.memref_slice %arg13[%and3A_49, %dma_wait3A_72, %dma_wait3A_73] : memref<2x128x128xf32, #tpu.memory_space<vmem>> -> memref<1x128x128xf32, #tpu.memory_space<vmem>>
      %dma_wait3A_75 = tpu.memref_squeeze %dma_wait3A_74 : memref<1x128x128xf32, #tpu.memory_space<vmem>> -> memref<128x128xf32, #tpu.memory_space<vmem>>
      %dma_wait3A_76 = tpu.memref_slice %arg10[%mul3A_71] : memref<512xi32, #tpu.memory_space<vmem>> -> memref<128xi32, #tpu.memory_space<vmem>>
      %dma_wait3A_77 = arith.constant 0 : i32
      %dma_wait3A_78 = arith.constant 0 : i32
      %dma_wait3A_79 = tpu.memref_slice %arg5[%dma_wait3A_77, %dma_wait3A_78] : memref<100000x128xf32, #tpu.memory_space<hbm>> -> memref<100000x128xf32, #tpu.memory_space<hbm>>
      tpu.wait_indirect_dma semaphore(%arg15 : memref<!tpu.dma_semaphore, #tpu.memory_space<semaphore_mem>>) src(%dma_wait3A_79 : memref<100000x128xf32, #tpu.memory_space<hbm>>) dst(%dma_wait3A_75 : memref<128x128xf32, #tpu.memory_space<vmem>>)
      %add3A_80 = arith.constant 1 : i32
      %add3A_81 = arith.addi %scan3A_48, %add3A_80 : i32
      %lt3A = arith.constant 4 : i32
      %lt3A_82 = arith.cmpi slt, %add3A_81, %lt3A : i32
      %convert_element_type3A = arith.extui %lt3A_82 : i1 to i32
      %cond3A = arith.constant 0 : i32
      %cond3A_83 = arith.cmpi ne, %convert_element_type3A, %cond3A : i32
      scf.if %cond3A_83 {
        %add3A_92 = arith.constant 1 : i32
        %add3A_93 = arith.addi %scan3A_48, %add3A_92 : i32
        %add3A_94 = arith.constant 1 : i32
        %add3A_95 = arith.addi %scan3A_48, %add3A_94 : i32
        %and3A_96 = arith.constant 1 : i32
        %and3A_97 = arith.andi %add3A_95, %and3A_96 : i32
        %mul3A_98 = arith.constant 128 : i32
        %mul3A_99 = arith.muli %add3A_93, %mul3A_98 : i32
        %dma_start3A_100 = arith.constant 0 : i32
        %dma_start3A_101 = arith.constant 0 : i32
        %dma_start3A_102 = tpu.memref_slice %arg11[%and3A_97, %dma_start3A_100, %dma_start3A_101] : memref<2x128x128xf32, #tpu.memory_space<vmem>> -> memref<1x128x128xf32, #tpu.memory_space<vmem>>
        %dma_start3A_103 = tpu.memref_squeeze %dma_start3A_102 : memref<1x128x128xf32, #tpu.memory_space<vmem>> -> memref<128x128xf32, #tpu.memory_space<vmem>>
        %dma_start3A_104 = tpu.memref_slice %arg8[%mul3A_99] : memref<512xi32, #tpu.memory_space<vmem>> -> memref<128xi32, #tpu.memory_space<vmem>>
        %dma_start3A_105 = arith.constant 0 : i32
        %dma_start3A_106 = arith.constant 0 : i32
        %dma_start3A_107 = tpu.memref_slice %arg5[%dma_start3A_105, %dma_start3A_106] : memref<100000x128xf32, #tpu.memory_space<hbm>> -> memref<100000x128xf32, #tpu.memory_space<hbm>>
        tpu.enqueue_indirect_dma source(%dma_start3A_107 : memref<100000x128xf32, #tpu.memory_space<hbm>>) target(%dma_start3A_103 : memref<128x128xf32, #tpu.memory_space<vmem>>) offsets(%dma_start3A_104 : memref<128xi32, #tpu.memory_space<vmem>>) semaphore(%arg15 : memref<!tpu.dma_semaphore, #tpu.memory_space<semaphore_mem>>)
        %mul3A_108 = arith.constant 128 : i32
        %mul3A_109 = arith.muli %add3A_93, %mul3A_108 : i32
        %dma_start3A_110 = arith.constant 0 : i32
        %dma_start3A_111 = arith.constant 0 : i32
        %dma_start3A_112 = tpu.memref_slice %arg12[%and3A_97, %dma_start3A_110, %dma_start3A_111] : memref<2x128x128xf32, #tpu.memory_space<vmem>> -> memref<1x128x128xf32, #tpu.memory_space<vmem>>
        %dma_start3A_113 = tpu.memref_squeeze %dma_start3A_112 : memref<1x128x128xf32, #tpu.memory_space<vmem>> -> memref<128x128xf32, #tpu.memory_space<vmem>>
        %dma_start3A_114 = tpu.memref_slice %arg9[%mul3A_109] : memref<512xi32, #tpu.memory_space<vmem>> -> memref<128xi32, #tpu.memory_space<vmem>>
        %dma_start3A_115 = arith.constant 0 : i32
        %dma_start3A_116 = arith.constant 0 : i32
        %dma_start3A_117 = tpu.memref_slice %arg6[%dma_start3A_115, %dma_start3A_116] : memref<1000x128xf32, #tpu.memory_space<hbm>> -> memref<1000x128xf32, #tpu.memory_space<hbm>>
        tpu.enqueue_indirect_dma source(%dma_start3A_117 : memref<1000x128xf32, #tpu.memory_space<hbm>>) target(%dma_start3A_113 : memref<128x128xf32, #tpu.memory_space<vmem>>) offsets(%dma_start3A_114 : memref<128xi32, #tpu.memory_space<vmem>>) semaphore(%arg15 : memref<!tpu.dma_semaphore, #tpu.memory_space<semaphore_mem>>)
        %mul3A_118 = arith.constant 128 : i32
        %mul3A_119 = arith.muli %add3A_93, %mul3A_118 : i32
        %dma_start3A_120 = arith.constant 0 : i32
        %dma_start3A_121 = arith.constant 0 : i32
        %dma_start3A_122 = tpu.memref_slice %arg13[%and3A_97, %dma_start3A_120, %dma_start3A_121] : memref<2x128x128xf32, #tpu.memory_space<vmem>> -> memref<1x128x128xf32, #tpu.memory_space<vmem>>
        %dma_start3A_123 = tpu.memref_squeeze %dma_start3A_122 : memref<1x128x128xf32, #tpu.memory_space<vmem>> -> memref<128x128xf32, #tpu.memory_space<vmem>>
        %dma_start3A_124 = tpu.memref_slice %arg10[%mul3A_119] : memref<512xi32, #tpu.memory_space<vmem>> -> memref<128xi32, #tpu.memory_space<vmem>>
        %dma_start3A_125 = arith.constant 0 : i32
        %dma_start3A_126 = arith.constant 0 : i32
        %dma_start3A_127 = tpu.memref_slice %arg5[%dma_start3A_125, %dma_start3A_126] : memref<100000x128xf32, #tpu.memory_space<hbm>> -> memref<100000x128xf32, #tpu.memory_space<hbm>>
        tpu.enqueue_indirect_dma source(%dma_start3A_127 : memref<100000x128xf32, #tpu.memory_space<hbm>>) target(%dma_start3A_123 : memref<128x128xf32, #tpu.memory_space<vmem>>) offsets(%dma_start3A_124 : memref<128xi32, #tpu.memory_space<vmem>>) semaphore(%arg15 : memref<!tpu.dma_semaphore, #tpu.memory_space<semaphore_mem>>)
      } else {
      }
      %mul3A_84 = arith.constant 128 : i32
      %mul3A_85 = arith.muli %scan3A_48, %mul3A_84 : i32
      %scan3A_86 = arith.constant 0 : i32
      %scan3A_87 = arith.constant 0 : i32
      %scan3A_88 = arith.constant 8 : i32
      %scan3A_89 = arith.addi %scan3A_87, %scan3A_88 : i32
      %scan3A_90 = arith.constant 1 : i32
      scf.for %scan3A_92 = %scan3A_87 to %scan3A_89 step %scan3A_90  : i32 {
        %broadcast_in_dim3A = arith.constant 0.000000e+00 : f32
        %broadcast_in_dim3A_93 = vector.broadcast %broadcast_in_dim3A : f32 to vector<16xf32>
        %scan3A_94 = arith.constant 0 : i32
        %scan3A_95 = arith.constant 16 : i32
        %scan3A_96 = arith.addi %scan3A_94, %scan3A_95 : i32
        %scan3A_97 = arith.constant 1 : i32
        %scan3A_98 = scf.for %scan3A_104 = %scan3A_94 to %scan3A_96 step %scan3A_97 iter_args(%scan3A_105 = %broadcast_in_dim3A_93) -> (vector<16xf32>)  : i32 {
          %mul3A_106 = arith.constant 16 : i32
          %mul3A_107 = arith.muli %scan3A_92, %mul3A_106 : i32
          %add3A_108 = arith.addi %mul3A_107, %scan3A_104 : i32
          %broadcast_in_dim3A_109 = arith.constant 0.000000e+00 : f32
          %broadcast_in_dim3A_110 = vector.broadcast %broadcast_in_dim3A_109 : f32 to vector<16xf32>
          %get3A = arith.constant 0 : i32
          %get3A_111 = arith.constant 0 : i32
          %get3A_112 = tpu.memref_slice %arg11[%and3A_49, %get3A, %get3A_111] : memref<2x128x128xf32, #tpu.memory_space<vmem>> -> memref<1x128x128xf32, #tpu.memory_space<vmem>>
          %get3A_113 = tpu.memref_squeeze %get3A_112 : memref<1x128x128xf32, #tpu.memory_space<vmem>> -> memref<128x128xf32, #tpu.memory_space<vmem>>
          %get3A_114 = arith.index_cast %add3A_108 : i32 to index
          %get3A_115 = arith.constant 0 : index
          %get3A_116 = tpu.vector_load %get3A_113[%get3A_114, %get3A_115] {strides = array<i32>} : memref<128x128xf32, #tpu.memory_space<vmem>>, vector<16xf32>,
          %get3A_117 = arith.constant 0 : i32
          %get3A_118 = arith.constant 0 : i32
          %get3A_119 = tpu.memref_slice %arg12[%and3A_49, %get3A_117, %get3A_118] : memref<2x128x128xf32, #tpu.memory_space<vmem>> -> memref<1x128x128xf32, #tpu.memory_space<vmem>>
          %get3A_120 = tpu.memref_squeeze %get3A_119 : memref<1x128x128xf32, #tpu.memory_space<vmem>> -> memref<128x128xf32, #tpu.memory_space<vmem>>
          %get3A_121 = arith.index_cast %add3A_108 : i32 to index
          %get3A_122 = arith.constant 0 : index
          %get3A_123 = tpu.vector_load %get3A_120[%get3A_121, %get3A_122] {strides = array<i32>} : memref<128x128xf32, #tpu.memory_space<vmem>>, vector<16xf32>,
          %get3A_124 = arith.constant 0 : i32
          %get3A_125 = arith.constant 0 : i32
          %get3A_126 = tpu.memref_slice %arg13[%and3A_49, %get3A_124, %get3A_125] : memref<2x128x128xf32, #tpu.memory_space<vmem>> -> memref<1x128x128xf32, #tpu.memory_space<vmem>>
          %get3A_127 = tpu.memref_squeeze %get3A_126 : memref<1x128x128xf32, #tpu.memory_space<vmem>> -> memref<128x128xf32, #tpu.memory_space<vmem>>
          %get3A_128 = arith.index_cast %add3A_108 : i32 to index
          %get3A_129 = arith.constant 0 : index
          %get3A_130 = tpu.vector_load %get3A_127[%get3A_128, %get3A_129] {strides = array<i32>} : memref<128x128xf32, #tpu.memory_space<vmem>>, vector<16xf32>,
          %mul3A_131 = arith.mulf %get3A_116, %get3A_123 : vector<16xf32>
          %mul3A_132 = arith.mulf %mul3A_131, %get3A_130 : vector<16xf32>
          %add3A_133 = arith.addf %broadcast_in_dim3A_110, %mul3A_132 : vector<16xf32>
          %get3A_134 = arith.constant 0 : i32
          %get3A_135 = arith.constant 0 : i32
          %get3A_136 = tpu.memref_slice %arg11[%and3A_49, %get3A_134, %get3A_135] : memref<2x128x128xf32, #tpu.memory_space<vmem>> -> memref<1x128x128xf32, #tpu.memory_space<vmem>>
          %get3A_137 = tpu.memref_squeeze %get3A_136 : memref<1x128x128xf32, #tpu.memory_space<vmem>> -> memref<128x128xf32, #tpu.memory_space<vmem>>
          %get3A_138 = arith.index_cast %add3A_108 : i32 to index
          %get3A_139 = arith.constant 16 : index
          %get3A_140 = tpu.vector_load %get3A_137[%get3A_138, %get3A_139] {strides = array<i32>} : memref<128x128xf32, #tpu.memory_space<vmem>>, vector<16xf32>,
          %get3A_141 = arith.constant 0 : i32
          %get3A_142 = arith.constant 0 : i32
          %get3A_143 = tpu.memref_slice %arg12[%and3A_49, %get3A_141, %get3A_142] : memref<2x128x128xf32, #tpu.memory_space<vmem>> -> memref<1x128x128xf32, #tpu.memory_space<vmem>>
          %get3A_144 = tpu.memref_squeeze %get3A_143 : memref<1x128x128xf32, #tpu.memory_space<vmem>> -> memref<128x128xf32, #tpu.memory_space<vmem>>
          %get3A_145 = arith.index_cast %add3A_108 : i32 to index
          %get3A_146 = arith.constant 16 : index
          %get3A_147 = tpu.vector_load %get3A_144[%get3A_145, %get3A_146] {strides = array<i32>} : memref<128x128xf32, #tpu.memory_space<vmem>>, vector<16xf32>,
          %get3A_148 = arith.constant 0 : i32
          %get3A_149 = arith.constant 0 : i32
          %get3A_150 = tpu.memref_slice %arg13[%and3A_49, %get3A_148, %get3A_149] : memref<2x128x128xf32, #tpu.memory_space<vmem>> -> memref<1x128x128xf32, #tpu.memory_space<vmem>>
          %get3A_151 = tpu.memref_squeeze %get3A_150 : memref<1x128x128xf32, #tpu.memory_space<vmem>> -> memref<128x128xf32, #tpu.memory_space<vmem>>
          %get3A_152 = arith.index_cast %add3A_108 : i32 to index
          %get3A_153 = arith.constant 16 : index
          %get3A_154 = tpu.vector_load %get3A_151[%get3A_152, %get3A_153] {strides = array<i32>} : memref<128x128xf32, #tpu.memory_space<vmem>>, vector<16xf32>,
          %mul3A_155 = arith.mulf %get3A_140, %get3A_147 : vector<16xf32>
          %mul3A_156 = arith.mulf %mul3A_155, %get3A_154 : vector<16xf32>
          %add3A_157 = arith.addf %add3A_133, %mul3A_156 : vector<16xf32>
          %get3A_158 = arith.constant 0 : i32
          %get3A_159 = arith.constant 0 : i32
          %get3A_160 = tpu.memref_slice %arg11[%and3A_49, %get3A_158, %get3A_159] : memref<2x128x128xf32, #tpu.memory_space<vmem>> -> memref<1x128x128xf32, #tpu.memory_space<vmem>>
          %get3A_161 = tpu.memref_squeeze %get3A_160 : memref<1x128x128xf32, #tpu.memory_space<vmem>> -> memref<128x128xf32, #tpu.memory_space<vmem>>
          %get3A_162 = arith.index_cast %add3A_108 : i32 to index
          %get3A_163 = arith.constant 32 : index
          %get3A_164 = tpu.vector_load %get3A_161[%get3A_162, %get3A_163] {strides = array<i32>} : memref<128x128xf32, #tpu.memory_space<vmem>>, vector<16xf32>,
          %get3A_165 = arith.constant 0 : i32
          %get3A_166 = arith.constant 0 : i32
          %get3A_167 = tpu.memref_slice %arg12[%and3A_49, %get3A_165, %get3A_166] : memref<2x128x128xf32, #tpu.memory_space<vmem>> -> memref<1x128x128xf32, #tpu.memory_space<vmem>>
          %get3A_168 = tpu.memref_squeeze %get3A_167 : memref<1x128x128xf32, #tpu.memory_space<vmem>> -> memref<128x128xf32, #tpu.memory_space<vmem>>
          %get3A_169 = arith.index_cast %add3A_108 : i32 to index
          %get3A_170 = arith.constant 32 : index
          %get3A_171 = tpu.vector_load %get3A_168[%get3A_169, %get3A_170] {strides = array<i32>} : memref<128x128xf32, #tpu.memory_space<vmem>>, vector<16xf32>,
          %get3A_172 = arith.constant 0 : i32
          %get3A_173 = arith.constant 0 : i32
          %get3A_174 = tpu.memref_slice %arg13[%and3A_49, %get3A_172, %get3A_173] : memref<2x128x128xf32, #tpu.memory_space<vmem>> -> memref<1x128x128xf32, #tpu.memory_space<vmem>>
          %get3A_175 = tpu.memref_squeeze %get3A_174 : memref<1x128x128xf32, #tpu.memory_space<vmem>> -> memref<128x128xf32, #tpu.memory_space<vmem>>
          %get3A_176 = arith.index_cast %add3A_108 : i32 to index
          %get3A_177 = arith.constant 32 : index
          %get3A_178 = tpu.vector_load %get3A_175[%get3A_176, %get3A_177] {strides = array<i32>} : memref<128x128xf32, #tpu.memory_space<vmem>>, vector<16xf32>,
          %mul3A_179 = arith.mulf %get3A_164, %get3A_171 : vector<16xf32>
          %mul3A_180 = arith.mulf %mul3A_179, %get3A_178 : vector<16xf32>
          %add3A_181 = arith.addf %add3A_157, %mul3A_180 : vector<16xf32>
          %get3A_182 = arith.constant 0 : i32
          %get3A_183 = arith.constant 0 : i32
          %get3A_184 = tpu.memref_slice %arg11[%and3A_49, %get3A_182, %get3A_183] : memref<2x128x128xf32, #tpu.memory_space<vmem>> -> memref<1x128x128xf32, #tpu.memory_space<vmem>>
          %get3A_185 = tpu.memref_squeeze %get3A_184 : memref<1x128x128xf32, #tpu.memory_space<vmem>> -> memref<128x128xf32, #tpu.memory_space<vmem>>
          %get3A_186 = arith.index_cast %add3A_108 : i32 to index
          %get3A_187 = arith.constant 48 : index
          %get3A_188 = tpu.vector_load %get3A_185[%get3A_186, %get3A_187] {strides = array<i32>} : memref<128x128xf32, #tpu.memory_space<vmem>>, vector<16xf32>,
          %get3A_189 = arith.constant 0 : i32
          %get3A_190 = arith.constant 0 : i32
          %get3A_191 = tpu.memref_slice %arg12[%and3A_49, %get3A_189, %get3A_190] : memref<2x128x128xf32, #tpu.memory_space<vmem>> -> memref<1x128x128xf32, #tpu.memory_space<vmem>>
          %get3A_192 = tpu.memref_squeeze %get3A_191 : memref<1x128x128xf32, #tpu.memory_space<vmem>> -> memref<128x128xf32, #tpu.memory_space<vmem>>
          %get3A_193 = arith.index_cast %add3A_108 : i32 to index
          %get3A_194 = arith.constant 48 : index
          %get3A_195 = tpu.vector_load %get3A_192[%get3A_193, %get3A_194] {strides = array<i32>} : memref<128x128xf32, #tpu.memory_space<vmem>>, vector<16xf32>,
          %get3A_196 = arith.constant 0 : i32
          %get3A_197 = arith.constant 0 : i32
          %get3A_198 = tpu.memref_slice %arg13[%and3A_49, %get3A_196, %get3A_197] : memref<2x128x128xf32, #tpu.memory_space<vmem>> -> memref<1x128x128xf32, #tpu.memory_space<vmem>>
          %get3A_199 = tpu.memref_squeeze %get3A_198 : memref<1x128x128xf32, #tpu.memory_space<vmem>> -> memref<128x128xf32, #tpu.memory_space<vmem>>
          %get3A_200 = arith.index_cast %add3A_108 : i32 to index
          %get3A_201 = arith.constant 48 : index
          %get3A_202 = tpu.vector_load %get3A_199[%get3A_200, %get3A_201] {strides = array<i32>} : memref<128x128xf32, #tpu.memory_space<vmem>>, vector<16xf32>,
          %mul3A_203 = arith.mulf %get3A_188, %get3A_195 : vector<16xf32>
          %mul3A_204 = arith.mulf %mul3A_203, %get3A_202 : vector<16xf32>
          %add3A_205 = arith.addf %add3A_181, %mul3A_204 : vector<16xf32>
          %get3A_206 = arith.constant 0 : i32
          %get3A_207 = arith.constant 0 : i32
          %get3A_208 = tpu.memref_slice %arg11[%and3A_49, %get3A_206, %get3A_207] : memref<2x128x128xf32, #tpu.memory_space<vmem>> -> memref<1x128x128xf32, #tpu.memory_space<vmem>>
          %get3A_209 = tpu.memref_squeeze %get3A_208 : memref<1x128x128xf32, #tpu.memory_space<vmem>> -> memref<128x128xf32, #tpu.memory_space<vmem>>
          %get3A_210 = arith.index_cast %add3A_108 : i32 to index
          %get3A_211 = arith.constant 64 : index
          %get3A_212 = tpu.vector_load %get3A_209[%get3A_210, %get3A_211] {strides = array<i32>} : memref<128x128xf32, #tpu.memory_space<vmem>>, vector<16xf32>,
          %get3A_213 = arith.constant 0 : i32
          %get3A_214 = arith.constant 0 : i32
          %get3A_215 = tpu.memref_slice %arg12[%and3A_49, %get3A_213, %get3A_214] : memref<2x128x128xf32, #tpu.memory_space<vmem>> -> memref<1x128x128xf32, #tpu.memory_space<vmem>>
          %get3A_216 = tpu.memref_squeeze %get3A_215 : memref<1x128x128xf32, #tpu.memory_space<vmem>> -> memref<128x128xf32, #tpu.memory_space<vmem>>
          %get3A_217 = arith.index_cast %add3A_108 : i32 to index
          %get3A_218 = arith.constant 64 : index
          %get3A_219 = tpu.vector_load %get3A_216[%get3A_217, %get3A_218] {strides = array<i32>} : memref<128x128xf32, #tpu.memory_space<vmem>>, vector<16xf32>,
          %get3A_220 = arith.constant 0 : i32
          %get3A_221 = arith.constant 0 : i32
          %get3A_222 = tpu.memref_slice %arg13[%and3A_49, %get3A_220, %get3A_221] : memref<2x128x128xf32, #tpu.memory_space<vmem>> -> memref<1x128x128xf32, #tpu.memory_space<vmem>>
          %get3A_223 = tpu.memref_squeeze %get3A_222 : memref<1x128x128xf32, #tpu.memory_space<vmem>> -> memref<128x128xf32, #tpu.memory_space<vmem>>
          %get3A_224 = arith.index_cast %add3A_108 : i32 to index
          %get3A_225 = arith.constant 64 : index
          %get3A_226 = tpu.vector_load %get3A_223[%get3A_224, %get3A_225] {strides = array<i32>} : memref<128x128xf32, #tpu.memory_space<vmem>>, vector<16xf32>,
          %mul3A_227 = arith.mulf %get3A_212, %get3A_219 : vector<16xf32>
          %mul3A_228 = arith.mulf %mul3A_227, %get3A_226 : vector<16xf32>
          %add3A_229 = arith.addf %add3A_205, %mul3A_228 : vector<16xf32>
          %get3A_230 = arith.constant 0 : i32
          %get3A_231 = arith.constant 0 : i32
          %get3A_232 = tpu.memref_slice %arg11[%and3A_49, %get3A_230, %get3A_231] : memref<2x128x128xf32, #tpu.memory_space<vmem>> -> memref<1x128x128xf32, #tpu.memory_space<vmem>>
          %get3A_233 = tpu.memref_squeeze %get3A_232 : memref<1x128x128xf32, #tpu.memory_space<vmem>> -> memref<128x128xf32, #tpu.memory_space<vmem>>
          %get3A_234 = arith.index_cast %add3A_108 : i32 to index
          %get3A_235 = arith.constant 80 : index
          %get3A_236 = tpu.vector_load %get3A_233[%get3A_234, %get3A_235] {strides = array<i32>} : memref<128x128xf32, #tpu.memory_space<vmem>>, vector<16xf32>,
          %get3A_237 = arith.constant 0 : i32
          %get3A_238 = arith.constant 0 : i32
          %get3A_239 = tpu.memref_slice %arg12[%and3A_49, %get3A_237, %get3A_238] : memref<2x128x128xf32, #tpu.memory_space<vmem>> -> memref<1x128x128xf32, #tpu.memory_space<vmem>>
          %get3A_240 = tpu.memref_squeeze %get3A_239 : memref<1x128x128xf32, #tpu.memory_space<vmem>> -> memref<128x128xf32, #tpu.memory_space<vmem>>
          %get3A_241 = arith.index_cast %add3A_108 : i32 to index
          %get3A_242 = arith.constant 80 : index
          %get3A_243 = tpu.vector_load %get3A_240[%get3A_241, %get3A_242] {strides = array<i32>} : memref<128x128xf32, #tpu.memory_space<vmem>>, vector<16xf32>,
          %get3A_244 = arith.constant 0 : i32
          %get3A_245 = arith.constant 0 : i32
          %get3A_246 = tpu.memref_slice %arg13[%and3A_49, %get3A_244, %get3A_245] : memref<2x128x128xf32, #tpu.memory_space<vmem>> -> memref<1x128x128xf32, #tpu.memory_space<vmem>>
          %get3A_247 = tpu.memref_squeeze %get3A_246 : memref<1x128x128xf32, #tpu.memory_space<vmem>> -> memref<128x128xf32, #tpu.memory_space<vmem>>
          %get3A_248 = arith.index_cast %add3A_108 : i32 to index
          %get3A_249 = arith.constant 80 : index
          %get3A_250 = tpu.vector_load %get3A_247[%get3A_248, %get3A_249] {strides = array<i32>} : memref<128x128xf32, #tpu.memory_space<vmem>>, vector<16xf32>,
          %mul3A_251 = arith.mulf %get3A_236, %get3A_243 : vector<16xf32>
          %mul3A_252 = arith.mulf %mul3A_251, %get3A_250 : vector<16xf32>
          %add3A_253 = arith.addf %add3A_229, %mul3A_252 : vector<16xf32>
          %get3A_254 = arith.constant 0 : i32
          %get3A_255 = arith.constant 0 : i32
          %get3A_256 = tpu.memref_slice %arg11[%and3A_49, %get3A_254, %get3A_255] : memref<2x128x128xf32, #tpu.memory_space<vmem>> -> memref<1x128x128xf32, #tpu.memory_space<vmem>>
          %get3A_257 = tpu.memref_squeeze %get3A_256 : memref<1x128x128xf32, #tpu.memory_space<vmem>> -> memref<128x128xf32, #tpu.memory_space<vmem>>
          %get3A_258 = arith.index_cast %add3A_108 : i32 to index
          %get3A_259 = arith.constant 96 : index
          %get3A_260 = tpu.vector_load %get3A_257[%get3A_258, %get3A_259] {strides = array<i32>} : memref<128x128xf32, #tpu.memory_space<vmem>>, vector<16xf32>,
          %get3A_261 = arith.constant 0 : i32
          %get3A_262 = arith.constant 0 : i32
          %get3A_263 = tpu.memref_slice %arg12[%and3A_49, %get3A_261, %get3A_262] : memref<2x128x128xf32, #tpu.memory_space<vmem>> -> memref<1x128x128xf32, #tpu.memory_space<vmem>>
          %get3A_264 = tpu.memref_squeeze %get3A_263 : memref<1x128x128xf32, #tpu.memory_space<vmem>> -> memref<128x128xf32, #tpu.memory_space<vmem>>
          %get3A_265 = arith.index_cast %add3A_108 : i32 to index
          %get3A_266 = arith.constant 96 : index
          %get3A_267 = tpu.vector_load %get3A_264[%get3A_265, %get3A_266] {strides = array<i32>} : memref<128x128xf32, #tpu.memory_space<vmem>>, vector<16xf32>,
          %get3A_268 = arith.constant 0 : i32
          %get3A_269 = arith.constant 0 : i32
          %get3A_270 = tpu.memref_slice %arg13[%and3A_49, %get3A_268, %get3A_269] : memref<2x128x128xf32, #tpu.memory_space<vmem>> -> memref<1x128x128xf32, #tpu.memory_space<vmem>>
          %get3A_271 = tpu.memref_squeeze %get3A_270 : memref<1x128x128xf32, #tpu.memory_space<vmem>> -> memref<128x128xf32, #tpu.memory_space<vmem>>
          %get3A_272 = arith.index_cast %add3A_108 : i32 to index
          %get3A_273 = arith.constant 96 : index
          %get3A_274 = tpu.vector_load %get3A_271[%get3A_272, %get3A_273] {strides = array<i32>} : memref<128x128xf32, #tpu.memory_space<vmem>>, vector<16xf32>,
          %mul3A_275 = arith.mulf %get3A_260, %get3A_267 : vector<16xf32>
          %mul3A_276 = arith.mulf %mul3A_275, %get3A_274 : vector<16xf32>
          %add3A_277 = arith.addf %add3A_253, %mul3A_276 : vector<16xf32>
          %get3A_278 = arith.constant 0 : i32
          %get3A_279 = arith.constant 0 : i32
          %get3A_280 = tpu.memref_slice %arg11[%and3A_49, %get3A_278, %get3A_279] : memref<2x128x128xf32, #tpu.memory_space<vmem>> -> memref<1x128x128xf32, #tpu.memory_space<vmem>>
          %get3A_281 = tpu.memref_squeeze %get3A_280 : memref<1x128x128xf32, #tpu.memory_space<vmem>> -> memref<128x128xf32, #tpu.memory_space<vmem>>
          %get3A_282 = arith.index_cast %add3A_108 : i32 to index
          %get3A_283 = arith.constant 112 : index
          %get3A_284 = tpu.vector_load %get3A_281[%get3A_282, %get3A_283] {strides = array<i32>} : memref<128x128xf32, #tpu.memory_space<vmem>>, vector<16xf32>,
          %get3A_285 = arith.constant 0 : i32
          %get3A_286 = arith.constant 0 : i32
          %get3A_287 = tpu.memref_slice %arg12[%and3A_49, %get3A_285, %get3A_286] : memref<2x128x128xf32, #tpu.memory_space<vmem>> -> memref<1x128x128xf32, #tpu.memory_space<vmem>>
          %get3A_288 = tpu.memref_squeeze %get3A_287 : memref<1x128x128xf32, #tpu.memory_space<vmem>> -> memref<128x128xf32, #tpu.memory_space<vmem>>
          %get3A_289 = arith.index_cast %add3A_108 : i32 to index
          %get3A_290 = arith.constant 112 : index
          %get3A_291 = tpu.vector_load %get3A_288[%get3A_289, %get3A_290] {strides = array<i32>} : memref<128x128xf32, #tpu.memory_space<vmem>>, vector<16xf32>,
          %get3A_292 = arith.constant 0 : i32
          %get3A_293 = arith.constant 0 : i32
          %get3A_294 = tpu.memref_slice %arg13[%and3A_49, %get3A_292, %get3A_293] : memref<2x128x128xf32, #tpu.memory_space<vmem>> -> memref<1x128x128xf32, #tpu.memory_space<vmem>>
          %get3A_295 = tpu.memref_squeeze %get3A_294 : memref<1x128x128xf32, #tpu.memory_space<vmem>> -> memref<128x128xf32, #tpu.memory_space<vmem>>
          %get3A_296 = arith.index_cast %add3A_108 : i32 to index
          %get3A_297 = arith.constant 112 : index
          %get3A_298 = tpu.vector_load %get3A_295[%get3A_296, %get3A_297] {strides = array<i32>} : memref<128x128xf32, #tpu.memory_space<vmem>>, vector<16xf32>,
          %mul3A_299 = arith.mulf %get3A_284, %get3A_291 : vector<16xf32>
          %mul3A_300 = arith.mulf %mul3A_299, %get3A_298 : vector<16xf32>
          %add3A_301 = arith.addf %add3A_277, %mul3A_300 : vector<16xf32>
          %reduce_sum3A = arith.constant true
          %reduce_sum3A_302 = vector.broadcast %reduce_sum3A : i1 to vector<16xi1>
          %reduce_sum3A_303 = tpu.scan <sum>, %add3A_301 masked %reduce_sum3A_302 : vector<16xf32>, vector<16xi1> -> vector<16xf32>
          %reduce_sum3A_304 = vector.extract %reduce_sum3A_303[15] : f32 from vector<16xf32>
          %eq3A = vector.broadcast %scan3A_104 : i32 to vector<16xi32>
          %eq3A_305 = arith.cmpi eq, %iota3A, %eq3A : vector<16xi32>
          %broadcast_in_dim3A_306 = vector.broadcast %reduce_sum3A_304 : f32 to vector<16xf32>
          %select_n3A = arith.select %eq3A_305, %broadcast_in_dim3A_306, %scan3A_105 : vector<16xi1>, vector<16xf32>
          scf.yield %select_n3A : vector<16xf32>
        }
        %scan3A_99 = arith.constant 16 : i32
        %mul3A_100 = arith.constant 16 : i32
        %mul3A_101 = arith.muli %scan3A_92, %mul3A_100 : i32
        %add3A_102 = arith.addi %mul3A_85, %mul3A_101 : i32
        %swap3A = arith.index_cast %add3A_102 : i32 to index
        %swap3A_103 = tpu.vector_load %arg14[%swap3A] {strides = array<i32>} : memref<512xf32, #tpu.memory_space<vmem>>, vector<16xf32>,
        tpu.vector_store %arg14[%swap3A], %scan3A_98 {strides = array<i32>} : memref<512xf32, #tpu.memory_space<vmem>>, vector<16xf32>,
      }
      %scan3A_91 = arith.constant 8 : i32
    }
    %scan3A_47 = arith.constant 4 : i32
    "tpu.region"() ({
      %run_scoped3A = tpu.sem_alloc : memref<!tpu.dma_semaphore, #tpu.memory_space<semaphore_mem>>
      %dma_start3A_48 = tpu.memref_slice %arg7[%mul3A_2] : memref<16384xf32, #tpu.memory_space<hbm>> -> memref<512xf32, #tpu.memory_space<hbm>>
      %dma_start3A_49 = tpu.memref_slice %arg7[%mul3A_2] : memref<16384xf32, #tpu.memory_space<hbm>> -> memref<512xf32, #tpu.memory_space<hbm>>
      tpu.enqueue_dma source(%arg14 : memref<512xf32, #tpu.memory_space<vmem>>) target(%dma_start3A_49 : memref<512xf32, #tpu.memory_space<hbm>>) target_semaphore(%run_scoped3A : memref<!tpu.dma_semaphore, #tpu.memory_space<semaphore_mem>>)
      %dma_wait3A_50 = tpu.memref_slice %arg7[%mul3A_2] : memref<16384xf32, #tpu.memory_space<hbm>> -> memref<512xf32, #tpu.memory_space<hbm>>
      %dma_wait3A_51 = tpu.memref_slice %arg7[%mul3A_2] : memref<16384xf32, #tpu.memory_space<hbm>> -> memref<512xf32, #tpu.memory_space<hbm>>
      tpu.wait_dma2 semaphore(%run_scoped3A : memref<!tpu.dma_semaphore, #tpu.memory_space<semaphore_mem>>) src(%arg14 : memref<512xf32, #tpu.memory_space<vmem>>) dst(%dma_wait3A_51 : memref<512xf32, #tpu.memory_space<hbm>>)
      tpu.yield
    }) : () -> ()
    return
  }
}

</mosaic_0001>

<sc_bundles>
// kernel: kernel.3.cloned.1.call-start
scs
__scs_entry_jumppad:
0x0: {  	(pc) =	sbr.rel $0x88, $3  }
0x1: {  	(tag) =	ssettag $0x0;
	lr =	simm.s32 $0x1  }
0x2: {  	[smem:$0x3F9C] =	sst lr;
	_ =	strace $0xD0000000  }
0x3: {  	_ = 	snop  }
0x4: {  	_ = 	snop  }
0x5: {  	_ = 	snop  }
0x6: {  	_ = 	snop  }
0x7: {  	_ = 	snop  }
__scs_overlays_trampoline_lowered:
0x8: {  	[smem:$0x3FAB] =	sst s0  }
0x9: {  	[smem:$0x3FAC] =	sst s1  }
0xa: {  	[smem:$0x3FAD] =	sst s2  }
0xb: {  	[smem:$0x3FAE] =	sst s3  }
0xc: {  	[smem:$0x3FAF] =	sst s4  }
0xd: {  	[smem:$0x3FB0] =	sst s5  }
0xe: {  	[smem:$0x3FB1] =	sst s6  }
0xf: {  	[smem:$0x3FB2] =	sst s7  }
0x10: {  	[smem:$0x3FB3] =	sst s8  }
0x11: {  	[smem:$0x3FB4] =	sst s9;
	s0 =	simm.s32 @!p0 $0x0  }
0x12: {  	s1 =	sld [smem:$0x3F9A];
	s0 =	simm.s32 @p0 $0x1  }
0x13: {  	[smem:$0x3FB5] =	sst s0;
	s0 =	simm.s32 @!p1 $0x0  }
0x14: {  	s2 =	sld [smem:$0x3F99];
	s0 =	simm.s32 @p1 $0x1  }
0x15: {  	[smem:$0x3FB6] =	sst s0;
	s0 =	simm.s32 @!p2 $0x0  }
0x16: {  	s3 =	sld [smem:$0x3FDB];
	s0 =	simm.s32 @p2 $0x1  }
0x17: {  	s4 =	simm.s32 $0x1BF5;
	[smem:$0x3FB8] =	sst s0  }
0x18: {  	s0 =	sld [smem:$0x3F9B];
	_ =	swait.ge [sflag:s4], $0x0  }
0x19: {  	s7 =	sld [smem:$0x3F9C]  }
0x1a: {  	s8 =	sadd.s32 $0xFFFFE003, lr  }
0x1b: {  	s9 =	sadd.s32 $0xFFFFFEF7, lr;
	s5 =	simm.s32 $0xFFFFFFFF;
	p2 =	slt.u32 s8, $0xFFFFF086  }
0x1c: {  	p1 =	slt.u32 s9, $0xF7A;
	s5 =	simm.s32 @!p2 $0x0  }
0x1d: {  	s5 =	simm.s32 @p1 $0x1;
	p0 =	seq.s32 s7, s2  }
0x1e: {  	s7 =	smul.u32 @!p0 $0xF7A, s2;
	p2 =	seq.s32 @!p0 s5, $0x0  }
0x1f: {  	s9 =	smul.u32 $0xF7A, s1;
	s8 =	simm.s32 @!p0 $0x1BF5;
	p2 =	por !p2, p0  }
0x20: {  	[sflag:s8] =	ssyncset.s32 @!p0 $0xFFFFF086;
	s6 =	sadd.s32 @!p0 s3, s7;
	s7 =	simm.s32 @!p0 $0x108  }
0x21: {  	s3 =	sadd.s32 s3, s9;
	s6 =	sadd.s32 @!p0 $0x88, s6;
	s7 =	simm.s32 @p2 $0x1082  }
0x22: {  	[simem:s7], [sflag:s8] =	dma.local @!p0 [hbm:s6], $0xF7A  }
0x23: {  	s9 =	sor.u32 $0xD0000000, s2;
	s6 =	simm.s32 $0x108;
	_ =	swait.ge @!p0 [sflag:s8], $0x0  }
0x24: {  	s3 =	sadd.s32 $0x88, s3;
	s6 =	simm.s32 @!p1 $0x1082;
	[sflag:s4] =	ssyncset.s32 $0xFFFFF086  }
0x25: {  	[simem:s6], [sflag:s4] =	dma.local [hbm:s3], $0xF7A  }
0x26: {  	[smem:$0x3F9C] =	sst s1;
	(tag) =	ssettag s2;
	_ =	strace s9  }
0x27: {  	s1 =	sld [smem:$0x3FAC]  }
0x28: {  	s2 =	sld [smem:$0x3FAD]  }
0x29: {  	s4 =	sld [smem:$0x3FAF]  }
0x2a: {  	p0 =	seq.s32 s5, $0x0;
	s5 =	sld [smem:$0x3FB0]  }
0x2b: {  	s6 =	sld [smem:$0x3FB1]  }
0x2c: {  	s7 =	sld [smem:$0x3FB2]  }
0x2d: {  	s3 =	simm.s32 $0x108;
	s8 =	sld [smem:$0x3FB3]  }
0x2e: {  	s3 =	simm.s32 @!p0 $0x1082;
	s9 =	sld [smem:$0x3FB4]  }
0x2f: {  	lr =	sadd.s32 s0, s3;
	s0 =	sld [smem:$0x3FAB]  }
0x30: {  	s3 =	sld [smem:$0x3FAE]  }
0x31: {  	[smem:$0x3FB7] =	sst s10  }
0x32: {  	s10 =	sld [smem:$0x3FB5];
	_ =	sdelay $0x3  }
0x33: {  	p0 =	seq.s32 s10, $0x1;
	s10 =	sld [smem:$0x3FB7];
	_ =	sdelay $0x3  }
0x34: {  	[smem:$0x3FB7] =	sst s10  }
0x35: {  	s10 =	sld [smem:$0x3FB6];
	_ =	sdelay $0x3  }
0x36: {  	p1 =	seq.s32 s10, $0x1;
	s10 =	sld [smem:$0x3FB7];
	_ =	sdelay $0x3  }
0x37: {  	[smem:$0x3FB7] =	sst s10  }
0x38: {  	s10 =	sld [smem:$0x3FB8]  }
0x39: {  	_ = 	snop;
	(pc) =	sbr.ind lr, $3  }
0x3a: {  	_ = 	snop  }
0x3b: {  	_ = 	snop  }
0x3c: {  	p2 =	seq.s32 s10, $0x1;
	s10 =	sld [smem:$0x3FB7]  }
0x3d: {  	_ =	shalt  }
0x3e: {  	_ =	shalt  }
0x3f: {  	_ =	shalt  }
0x40: {  	_ =	shalt  }
0x41: {  	_ =	shalt  }
0x42: {  	_ =	shalt  }
0x43: {  	_ =	shalt  }
0x44: {  	_ =	shalt  }
0x45: {  	_ =	shalt  }
0x46: {  	_ =	shalt  }
0x47: {  	_ =	shalt  }
0x48: {  	_ =	shalt  }
0x49: {  	_ =	shalt  }
0x4a: {  	_ =	shalt  }
0x4b: {  	_ =	shalt  }
0x4c: {  	_ =	shalt  }
0x4d: {  	_ =	shalt  }
0x4e: {  	_ =	shalt  }
0x4f: {  	_ =	shalt  }
0x50: {  	_ =	shalt  }
0x51: {  	_ =	shalt  }
0x52: {  	_ =	shalt  }
0x53: {  	_ =	shalt  }
0x54: {  	_ =	shalt  }
0x55: {  	_ =	shalt  }
0x56: {  	_ =	shalt  }
0x57: {  	_ =	shalt  }
0x58: {  	_ =	shalt  }
0x59: {  	_ =	shalt  }
0x5a: {  	_ =	shalt  }
0x5b: {  	_ =	shalt  }
0x5c: {  	_ =	shalt  }
0x5d: {  	_ =	shalt  }
0x5e: {  	_ =	shalt  }
0x5f: {  	_ =	shalt  }
0x60: {  	_ =	shalt  }
0x61: {  	_ =	shalt  }
0x62: {  	_ =	shalt  }
0x63: {  	_ =	shalt  }
0x64: {  	_ =	shalt  }
0x65: {  	_ =	shalt  }
0x66: {  	_ =	shalt  }
0x67: {  	_ =	shalt  }
0x68: {  	_ =	shalt  }
0x69: {  	_ =	shalt  }
0x6a: {  	_ =	shalt  }
0x6b: {  	_ =	shalt  }
0x6c: {  	_ =	shalt  }
0x6d: {  	_ =	shalt  }
0x6e: {  	_ =	shalt  }
0x6f: {  	_ =	shalt  }
0x70: {  	_ =	shalt  }
0x71: {  	_ =	shalt  }
0x72: {  	_ =	shalt  }
0x73: {  	_ =	shalt  }
0x74: {  	_ =	shalt  }
0x75: {  	_ =	shalt  }
0x76: {  	_ =	shalt  }
0x77: {  	_ =	shalt  }
0x78: {  	_ =	shalt  }
0x79: {  	_ =	shalt  }
0x7a: {  	_ =	shalt  }
0x7b: {  	_ =	shalt  }
0x7c: {  	_ =	shalt  }
0x7d: {  	_ =	shalt  }
0x7e: {  	_ =	shalt  }
0x7f: {  	_ =	shalt  }
0x80: {  	_ =	shalt  }
0x81: {  	_ =	shalt  }
0x82: {  	_ =	shalt  }
0x83: {  	_ =	shalt  }
0x84: {  	_ =	shalt  }
0x85: {  	_ =	shalt  }
0x86: {  	_ =	shalt  }
0x87: {  	_ =	shalt  }
.Lfunc_end0:
.L_simem_size_0:
called_computation_lowered:
.L_overlay_start_0:
0x88: {  	s2 =	sld [smem:$0x3FD9]  }
0x89: {  	s3 =	sld [smem:$0x3FFE];
	_ =	sdelay $0x1  }
0x8a: {  	s1 =	srdreg.scid  }
0x8b: {  	s0 =	sand.u32 $0x1, s1  }
0x8c: {  	s18 =	sshll.u32 s0, $0xA;
	s2 =	sadd.s32 s3, s2  }
0x8d: {  	s2 =	sadd.s32 s2, s18  }
0x8e: {  	[smem:$0x3FC3] =	sst s2  }
0x8f: {  	_ = 	snop  }
0x90: {  	s2 =	sld [smem:$0x3FC9]  }
0x91: {  	s19 =	sld [smem:$0x3FC8]  }
0x92: {  	s4 =	sld [smem:$0x3FC7]  }
0x93: {  	s5 =	sld [smem:$0x3FC6]  }
0x94: {  	s6 =	sld [smem:$0x3FC5]  }
0x95: {  	s7 =	sld [smem:$0x3FD0];
	(tm) =	ssettm $0x1  }
0x96: {  	s8 =	sld [smem:$0x3FFB];
	_ =	sdelay $0x3  }
0x97: {  	_ =	strace s8  }
0x98: {  	s8 =	sld [smem:$0x3FFC];
	_ =	sdelay $0x3  }
0x99: {  	_ =	strace s8  }
0x9a: {  	s8 =	sld [smem:$0x3FFD];
	_ =	sdelay $0x3  }
0x9b: {  	_ =	strace s8  }
0x9c: {  	_ =	strace $0x8FFFFFFF  }
0x9d: {  	s20 =	sld [smem:$0x3FDB];
	_ =	sdelay $0x1  }
0x9e: {  	s9 =	simm.s32 $_scs_section_size  }
0x9f: {  	s10 =	simm.s32 $_size__tile_overlayer_lowered;
	s11 =	simm.s32 $_tile_overlayer_lowered  }
0xa0: {  	s23 =	simm.s32 $0x1BFF;
	s22 =	sshll.u32 s11, $0x1;
	s8 =	sadd.s32 s9, s20  }
0xa1: {  	s12 =	simm.s32 $0x0;
	s21 =	sshll.u32 s10, $0x1;
	s10 =	sadd.s32 s22, s8  }
0xa2: {  	[timem:s12], [sflag:s23] =	dma.local [hbm:s10], s21  }
0xa3: {  	_ =	swait.ge [sflag:s23], s21  }
0xa4: {  	s9 =	ssub.s32 $0x0, s21;
	[sflag:s23] =	ssyncset.done $0x0  }
0xa5: {  	[sflag:s23] =	ssyncadd.s32 s9;
	_ =	sdelay $0x1  }
0xa6: {  	s24 =	simm.s32 $0x1B8B  }
0xa7: {  	_ =	swait.ge [sflag:s24], $0x1  }
0xa8: {  	[sflag:s24] =	ssyncset.done $0x0  }
0xa9: {  	s25 =	simm.s32 $0x1B8E;
	[sflag:s24] =	ssyncadd.s32 $0xFFFFFFFF  }
0xaa: {  	s26 =	simm.s32 $execute0_lowered;
	[smem:$0x3FD2] =	sst s25  }
0xab: {  	s9 =	sshll.u32 s26, $0x1;
	_ =	strace $0x80000046;
	[dreg:$0x1] =	wrdreg $0xFFFFFFFF  }
0xac: {  	s28 =	simm.s32 $_size_execute0_lowered;
	s8 =	sadd.s32 s8, s9;
	[dreg:$0x0] =	wrdreg $0x0  }
0xad: {  	s9 =	sshll.u32 s28, $0x1;
	[dreg:$0x2] =	wrdreg s8  }
0xae: {  	[dreg:$0x3] =	wrdreg s9  }
0xaf: {  	[dreg:$0x4] =	wrdreg $0xC0  }
0xb0: {  	_ =	task [dreg:s12], $0x5FFFF  }
0xb1: {  	[dreg:$0x1] =	wrdreg $0xFFFFFFFF  }
0xb2: {  	[dreg:$0x0] =	wrdreg $0x60  }
0xb3: {  	[dreg:$0x2] =	wrdreg s2  }
0xb4: {  	[dreg:$0x3] =	wrdreg s19  }
0xb5: {  	[dreg:$0x4] =	wrdreg s4  }
0xb6: {  	[dreg:$0x5] =	wrdreg s5  }
0xb7: {  	[dreg:$0x6] =	wrdreg s6  }
0xb8: {  	[dreg:$0x7] =	wrdreg s7  }
0xb9: {  	[dreg:$0x8] =	wrdreg $0x9  }
0xba: {  	_ =	task.clear_ibuf [dreg:s12], $0x9FFFF;
	_ =	strace $0x90000046  }
0xbb: {  	s29 =	simm.s32 $0x9;
	_ =	strace $0x80000048  }
0xbc: {  	_ =	swait.ge [sflag:s29], $0x1  }
0xbd: {  	[sflag:s29] =	ssyncadd.s32 $0xFFFFFFFF  }
0xbe: {  	_ =	strace $0x90000048  }
0xbf: {  	_ =	sfence  }
0xc0: {  	s30 =	sld [smem:$0x0];
	_ =	sdelay $0x2  }
0xc1: {  	s31 =	sshll.u32 s1, $0xD;
	s1 =	sshrl.u32 s1, $0x2  }
0xc2: {  	s3 =	sand.u32 $0x4000, s31;
	s1 =	sadd.s32 s1, s30  }
0xc3: {  	s0 =	sor.u32 s3, s0;
	s1 =	sshll.u32 s1, $0x11  }
0xc4: {  	s0 =	sor.u32 s1, s0  }
0xc5: {  	s0 =	sadd.s32 $0x8F2B, s0  }
0xc6: {  	[sflag:s0] =	ssyncadd.remote.s32 $0x1  }
0xc7: {  	_ =	sfence.sel $0xFFFF  }
0xc8: {  	[dreg:$0x0] =	wrdreg $0xFFFFFFFF;
	(pc) =	sbr.abs _section_cstart, $3  }
0xc9: {  	[dreg:$0x1] =	wrdreg $0xFFFFFFFF  }
0xca: {  	_ =	task.clear_ibuf [dreg:s12], $0x2FFFF;
	_ =	strace $0x9FFFFFFF  }
0xcb: {  	(tm) =	ssettm $0x7FFFFFFF  }
tec
execute0_lowered:
.L_overlay_start_1:
0x0: {  	(tag) =	ssettag $0x1  }
0x1: {  	s5 =	rddreg [dreg:$0x0]  }
0x2: {  	s6 =	rddreg [dreg:$0x1]  }
0x3: {  	s7 =	rddreg [dreg:$0x2]  }
0x4: {  	s1 =	rddreg [dreg:$0x3]  }
0x5: {  	s2 =	rddreg [dreg:$0x4]  }
0x6: {  	s8 =	rddreg [dreg:$0x5];
	s3 =	srdreg.scid  }
0x7: {  	s0 =	rddreg [dreg:$0x6];
	s4 =	simm.s32 $0x0;
	s13 =	simm.s32 $0x80  }
0x8: {  	s14 =	simm.s32 $0x600;
	s15 =	simm.s32 $0x8600;
	s16 =	simm.s32 $0x10600  }
0x9: {  	s17 =	simm.s32 $0x18600;
	s18 =	simm.s32 $0x2;
	s19 =	simm.s32 $0x0  }
0xa: {  	s9 =	sand.u32 $0x1, s3;
	[smem:$0x7FF] =	sst s4;
	s3 =	stileid.u32  }
0xb: {  	s10 =	ssub.s32 $0x2, s9;
	s12 =	sshll.u32 s3, $0x7;
	s9 =	sshll.u32 s9, $0x6  }
0xc: {  	_ =	strace $0x80000047;
	s11 =	sshrl.u32 s10, $0x1;
	s9 =	sor.u32 s9, s12  }
0xd: {  	s12 =	simm.s32 $0x1;
	s10 =	ssub.s32 s10, s11;
	s5 =	sadd.s32 s5, s9  }
0xe: {  	s6 =	sadd.s32 s6, s9;
	s7 =	sadd.s32 s7, s9;
	s8 =	sadd.s32 s8, s9  }
0xf: {  	v0 =	vlaneseq.u32;
	s11 =	simm.s32 $0x400;
	s9 =	smax.u32 s10, $0x1;
	s10 =	simm.s32 $0x200  }
.LBB2_1:
0x10: {  	[tilespmem:s4], [sflag:$0x1] =	stream.linear.gather [hbm4b:s5+s4], $0x200, $0x38;
	[tilespmem:$0x18800] =	vst v63  }
0x11: {  	_ = 	snop  }
0x12: {  	[tilespmem:s10], [sflag:$0x1] =	stream.linear.gather [hbm4b:s6+s4], $0x200, $0x38;
	[tilespmem:$0x18800] =	vst v63  }
0x13: {  	_ = 	snop  }
0x14: {  	[tilespmem:s11], [sflag:$0x1] =	stream.linear.gather [hbm4b:s7+s4], $0x200, $0x38;
	[tilespmem:$0x18800] =	vst v63  }
0x15: {  	_ =	swait.ge [sflag:s12], $0x200  }
0x16: {  	[sflag:s12] =	ssyncset.done $0x0  }
0x17: {  	[sflag:s12] =	ssyncadd.s32 $0xFFFFFE00  }
0x18: {  	_ =	swait.ge [sflag:s12], $0x200  }
0x19: {  	[sflag:s12] =	ssyncset.done $0x0  }
0x1a: {  	[sflag:s12] =	ssyncadd.s32 $0xFFFFFE00  }
0x1b: {  	_ =	swait.ge [sflag:s12], $0x200  }
0x1c: {  	[sflag:s12] =	ssyncset.done $0x0  }
0x1d: {  	[sflag:s12] =	ssyncadd.s32 $0xFFFFFE00  }
0x1e: {  	[tilespmem:s14], [sflag:$0x1] =	stream.indirect.gather [hbm4b:s1+s13], $0x80, s4, s13, $0xb8;
	[tilespmem:$0x18800] =	vst v63  }
0x1f: {  	_ = 	snop  }
0x20: {  	[tilespmem:s15], [sflag:$0x1] =	stream.indirect.gather [hbm4b:s2+s13], $0x80, s10, s13, $0xb8;
	[tilespmem:$0x18800] =	vst v63  }
0x21: {  	p0 =	por $0x0, $0x0;
	s20 =	simm.s32 $0x0  }
0x22: {  	[tilespmem:s16], [sflag:$0x1] =	stream.indirect.gather [hbm4b:s1+s13], $0x80, s11, s13, $0xb8;
	[tilespmem:$0x18800] =	vst v63  }
.LBB2_3:
0x23: {  	_ =	swait.ge [sflag:s12], $0x4000  }
0x24: {  	[sflag:s12] =	ssyncset.done $0x0  }
0x25: {  	[sflag:s12] =	ssyncadd.s32 $0xFFFFC000  }
0x26: {  	_ =	swait.ge [sflag:s12], $0x4000  }
0x27: {  	s21 =	smov.u32 s20;
	[sflag:s12] =	ssyncset.done $0x0  }
0x28: {  	s20 =	sadd.s32 $0x1, s20;
	p1 =	seq.s32 s21, $0x3;
	[sflag:s12] =	ssyncadd.s32 $0xFFFFC000  }
0x29: {  	s22 =	sshll.u32 @!p1 s20, $0xE;
	_ =	swait.ge [sflag:s12], $0x4000  }
0x2a: {  	s24 =	sshll.u32 @!p1 s20, $0x7;
	s22 =	sand.u32 @!p1 $0x4000, s22;
	[sflag:s12] =	ssyncset.done $0x0  }
0x2b: {  	s25 =	simm.s32 @!p1 $0x80;
	s23 =	sor.u32 @!p1 $0x600, s22;
	[sflag:s12] =	ssyncadd.s32 $0xFFFFC000  }
0x2c: {  	[tilespmem:s23], [sflag:$0x1] =	stream.indirect.gather @!p1 [hbm4b:s1+s25], $0x80, s24, s25, $0xb8;
	[tilespmem:$0x18800] =	vst v63  }
0x2d: {  	s21 =	sshll.u32 s21, $0x7;
	s26 =	sadd.s32 @!p1 $0x200, s24;
	s23 =	sor.u32 @!p1 $0x8600, s22  }
0x2e: {  	[tilespmem:s23], [sflag:$0x1] =	stream.indirect.gather @!p1 [hbm4b:s2+s25], $0x80, s26, s25, $0xb8;
	[tilespmem:$0x18800] =	vst v63  }
0x2f: {  	s30 =	sand.u32 $0x3FFFFF80, s21;
	s23 =	simm.s32 $0x1  }
0x30: {  	s22 =	sor.u32 @!p1 $0x10600, s22;
	s24 =	sadd.s32 @!p1 $0x400, s24;
	s23 =	simm.s32 @!p0 $0x0  }
0x31: {  	[tilespmem:s22], [sflag:$0x1] =	stream.indirect.gather @!p1 [hbm4b:s1+s25], $0x80, s24, s25, $0xb8;
	[tilespmem:$0x18800] =	vst v63  }
0x32: {  	s31 =	sadd.s32 $0x18600, s30;
	s23 =	sshll.u32 s23, $0xE;
	s24 =	simm.s32 $0x0  }
0x33: {  	v1 =	vmov s31;
	s21 =	sor.u32 $0x640, s23;
	s22 =	sor.u32 $0x8640, s23;
	s23 =	sor.u32 $0x10640, s23  }
.LBB2_4:
0x34: {  	v2 =	vld [tilespmem:s23+$0x20]  }
0x35: {  	v5 =	vld [tilespmem:s23+$0x10]  }
0x36: {  	v3 =	vld [tilespmem:s23+$0x0]  }
0x37: {  	v4 =	vld [tilespmem:s23+$0xFFFFFFF0]  }
0x38: {  	v6 =	vld [tilespmem:s23+$0xFFFFFFE0]  }
0x39: {  	v7 =	vld [tilespmem:s23+$0xFFFFFFD0]  }
0x3a: {  	v8 =	vld [tilespmem:s23+$0xFFFFFFC0]  }
0x3b: {  	v9 =	vld [tilespmem:s21+$0xFFFFFFC0]  }
0x3c: {  	v10 =	vld [tilespmem:s22+$0xFFFFFFC0]  }
0x3d: {  	v11 =	vld [tilespmem:s21+$0xFFFFFFD0]  }
0x3e: {  	v12 =	vld [tilespmem:s22+$0xFFFFFFD0]  }
0x3f: {  	v13 =	vld [tilespmem:s21+$0xFFFFFFE0]  }
0x40: {  	v14 =	vld [tilespmem:s22+$0xFFFFFFE0]  }
0x41: {  	v15 =	vld [tilespmem:s21+$0xFFFFFFF0];
	v9 =	vmul.f32 v10, v9  }
0x42: {  	v10 =	vld [tilespmem:s22+$0xFFFFFFF0]  }
0x43: {  	v16 =	vld [tilespmem:s21+$0x0];
	v8 =	vmul.f32 v8, v9;
	v9 =	vmul.f32 v12, v11  }
0x44: {  	v11 =	vld [tilespmem:s22+$0x0]  }
0x45: {  	v12 =	vld [tilespmem:s21+$0x10];
	v8 =	vadd.f32 $0.0e+00, v8;
	v7 =	vmul.f32 v7, v9;
	v9 =	vmul.f32 v14, v13  }
0x46: {  	v13 =	vld [tilespmem:s22+$0x10]  }
0x47: {  	v14 =	vld [tilespmem:s21+$0x20];
	v7 =	vadd.f32 v7, v8;
	v6 =	vmul.f32 v6, v9;
	v8 =	vmul.f32 v10, v15  }
0x48: {  	v9 =	vld [tilespmem:s22+$0x20]  }
0x49: {  	v10 =	vld [tilespmem:s21+$0x30];
	v6 =	vadd.f32 v6, v7;
	v4 =	vmul.f32 v4, v8;
	v7 =	vmul.f32 v11, v16  }
0x4a: {  	v8 =	vld [tilespmem:s22+$0x30]  }
0x4b: {  	s25 =	sadd.s32 $0x80, s23;
	v11 =	vld [tilespmem:s23+$0x30];
	v12 =	vmul.f32 v13, v12;
	v6 =	vadd.f32 v4, v6;
	v7 =	vmul.f32 v3, v7  }
0x4c: {  	v4 =	vld [tilespmem:s25+$0x20]  }
0x4d: {  	v3 =	vld [tilespmem:s25+$0x10];
	v12 =	vmul.f32 v5, v12;
	v9 =	vmul.f32 v9, v14;
	v7 =	vadd.f32 v7, v6  }
0x4e: {  	v5 =	vld [tilespmem:s25+$0x0]  }
0x4f: {  	v6 =	vld [tilespmem:s25+$0xFFFFFFF0];
	v2 =	vmul.f32 v2, v9;
	v9 =	vmul.f32 v8, v10;
	v12 =	vadd.f32 v12, v7  }
0x50: {  	v8 =	vld [tilespmem:s25+$0xFFFFFFD0]  }
0x51: {  	v10 =	vld [tilespmem:s25+$0xFFFFFFC0];
	v9 =	vmul.f32 v11, v9;
	v12 =	vadd.f32 v2, v12  }
0x52: {  	s29 =	sadd.s32 $0x80, s21;
	v7 =	vld [tilespmem:s25+$0xFFFFFFE0]  }
0x53: {  	s30 =	sadd.s32 $0x80, s22;
	v11 =	vld [tilespmem:s29+$0xFFFFFFC0];
	v9 =	vadd.f32 v9, v12  }
0x54: {  	s26 =	simm.s32 $0x1;
	s31 =	simm.s32 $0x2;
	s28 =	simm.s32 $0x0;
	v2 =	vimm.f32 $0.0e+00;
	v12 =	vld [tilespmem:s30+$0xFFFFFFC0]  }
.LBB2_5:
0x55: {  	p1 =	sne.s32 s31, $0xF;
	v13 =	vld [tilespmem:s29+$0xFFFFFFD0];
	(xrf2) =	vadd.scan.msk.f32 $0xffff, v9  }
0x56: {  	v9 =	vld [tilespmem:s30+$0xFFFFFFD0]  }
0x57: {  	v14 =	vld [tilespmem:s29+$0xFFFFFFE0]  }
0x58: {  	v15 =	vld [tilespmem:s30+$0xFFFFFFE0]  }
0x59: {  	v11 =	vmul.f32 v12, v11;
	v12 =	vld [tilespmem:s29+$0xFFFFFFF0]  }
0x5a: {  	v16 =	vld [tilespmem:s30+$0xFFFFFFF0]  }
0x5b: {  	v10 =	vmul.f32 v10, v11;
	v9 =	vmul.f32 v9, v13;
	v11 =	vld [tilespmem:s29+$0x0]  }
0x5c: {  	v13 =	vld [tilespmem:s30+$0x0]  }
0x5d: {  	v10 =	vadd.f32 $0.0e+00, v10;
	v8 =	vmul.f32 v8, v9;
	v9 =	vmul.f32 v15, v14;
	v14 =	vld [tilespmem:s29+$0x10]  }
0x5e: {  	v17 =	vmov s28;
	s28 =	smov.u32 s26;
	s26 =	smov.u32 s31;
	v15 =	vld [tilespmem:s30+$0x10]  }
0x5f: {  	v8 =	vadd.f32 v8, v10;
	v7 =	vmul.f32 v7, v9;
	v9 =	vmul.f32 v16, v12;
	v10 =	vld [tilespmem:s29+$0x20];
	v12, _, _ =	vpop (xrf2)  }
0x60: {  	vm0 =	veq.s32 v17, v0;
	v16 =	vld [tilespmem:s30+$0x20];
	v12 =	vbroadcast v12, $0xF  }
0x61: {  	v7 =	vadd.f32 v7, v8;
	v6 =	vmul.f32 v6, v9;
	v8 =	vmul.f32 v13, v11;
	v9 =	vld [tilespmem:s29+$0x30]  }
0x62: {  	v11 =	vld [tilespmem:s30+$0x30];
	v2 =	vsel vm0, v12, v2  }
0x63: {  	v6 =	vadd.f32 v6, v7;
	v5 =	vmul.f32 v5, v8;
	v7 =	vmul.f32 v15, v14;
	v12 =	vld [tilespmem:s25+$0x30];
	s25 =	sadd.s32 $0x80, s25  }
0x64: {  	v13 =	vld [tilespmem:s25+$0x20]  }
0x65: {  	v8 =	vadd.f32 v5, v6;
	v7 =	vmul.f32 v3, v7;
	v3 =	vld [tilespmem:s25+$0x10];
	v10 =	vmul.f32 v16, v10  }
0x66: {  	v5 =	vld [tilespmem:s25+$0x0]  }
0x67: {  	v6 =	vld [tilespmem:s25+$0xFFFFFFF0];
	v14 =	vadd.f32 v7, v8;
	v10 =	vmul.f32 v4, v10;
	v9 =	vmul.f32 v11, v9  }
.Ltmp0:
0x68: {  	v7 =	vld [tilespmem:s25+$0xFFFFFFE0];
	(pc) =	sbr.rel @p1 .LBB2_5-.Ltmp0, $4  }
0x69: {  	v8 =	vld [tilespmem:s25+$0xFFFFFFD0];
	v14 =	vadd.f32 v10, v14;
	v9 =	vmul.f32 v12, v9;
	v4 =	vmov v13  }
0x6a: {  	s29 =	sadd.s32 $0x80, s29;
	v10 =	vld [tilespmem:s25+$0xFFFFFFC0]  }
0x6b: {  	s30 =	sadd.s32 $0x80, s30;
	v11 =	vld [tilespmem:s29+$0xFFFFFFC0];
	v9 =	vadd.f32 v9, v14  }
0x6c: {  	s31 =	sadd.s32 $0x1, s31;
	v12 =	vld [tilespmem:s30+$0xFFFFFFC0]  }
0x6d: {  	v13 =	vld [tilespmem:s29+$0xFFFFFFD0]  }
0x6e: {  	v14 =	vld [tilespmem:s30+$0xFFFFFFD0]  }
0x6f: {  	v15 =	vld [tilespmem:s29+$0xFFFFFFE0]  }
0x70: {  	v16 =	vld [tilespmem:s30+$0xFFFFFFE0]  }
0x71: {  	v43 =	vld [tilespmem:s29+$0xFFFFFFF0];
	v11 =	vmul.f32 v12, v11  }
0x72: {  	v17 =	vld [tilespmem:s30+$0xFFFFFFF0]  }
0x73: {  	v45 =	vld [tilespmem:s29+$0x0];
	v44 =	vmul.f32 v14, v13;
	v10 =	vmul.f32 v10, v11  }
0x74: {  	v46 =	vld [tilespmem:s30+$0x0]  }
0x75: {  	v48 =	vld [tilespmem:s29+$0x10];
	v47 =	vmul.f32 v16, v15;
	v8 =	vmul.f32 v8, v44;
	v10 =	vadd.f32 $0.0e+00, v10  }
0x76: {  	v49 =	vld [tilespmem:s30+$0x10]  }
0x77: {  	v51 =	vld [tilespmem:s29+$0x20];
	v50 =	vmul.f32 v17, v43;
	v7 =	vmul.f32 v7, v47;
	v8 =	vadd.f32 v8, v10  }
0x78: {  	v52 =	vld [tilespmem:s30+$0x20]  }
0x79: {  	v54 =	vld [tilespmem:s29+$0x30];
	v53 =	vmul.f32 v46, v45;
	v6 =	vmul.f32 v6, v50;
	v7 =	vadd.f32 v7, v8  }
0x7a: {  	v55 =	vld [tilespmem:s30+$0x30]  }
0x7b: {  	v56 =	vmul.f32 v49, v48;
	v5 =	vmul.f32 v5, v53;
	v6 =	vadd.f32 v6, v7  }
0x7c: {  	v57 =	vld [tilespmem:s25+$0x30]  }
0x7d: {  	v58 =	vmul.f32 v52, v51;
	v3 =	vmul.f32 v3, v56;
	v5 =	vadd.f32 v5, v6;
	_ =	sdelay $0x1  }
0x7e: {  	v59 =	vmul.f32 v55, v54;
	v4 =	vmul.f32 v4, v58;
	v3 =	vadd.f32 v3, v5;
	_ =	sdelay $0x1  }
0x7f: {  	v60 =	vmul.f32 v57, v59;
	v3 =	vadd.f32 v4, v3;
	_ =	sdelay $0x1  }
0x80: {  	v3 =	vadd.f32 v60, v3  }
0x81: {  	(xrf2) =	vadd.scan.msk.f32 $0xffff, v9  }
0x82: {  	(xrf2) =	vadd.scan.msk.f32 $0xffff, v3;
	_ =	sdelay $0x7  }
0x83: {  	s31 =	sshll.u32 s24, $0x4;
	s24 =	sadd.s32 $0x1, s24  }
0x84: {  	p1 =	seq.s32 s24, $0x8;
	v3, _, _ =	vpop (xrf2)  }
.Ltmp1:
0x85: {  	v61 =	vmov s28;
	v3 =	vbroadcast v3, $0xF;
	v62, _, _ =	vpop (xrf2);
	(pc) =	sbr.rel @!p1 .LBB2_4-.Ltmp1, $4  }
0x86: {  	v63 =	vmov s26;
	vm0 =	veq.s32 v61, v0;
	v5 =	vbroadcast v62, $0xF  }
0x87: {  	vm15 =	veq.s32 v63, v0;
	v2 =	vsel vm0, v3, v2  }
0x88: {  	s25 =	sand.u32 $0x3FFFFFF0, s31;
	v2 =	vsel vm15, v5, v2  }
0x89: {  	s21 =	sadd.s32 $0x800, s21;
	s22 =	sadd.s32 $0x800, s22;
	s23 =	sadd.s32 $0x800, s23;
	[tilespmem:v1+s25+$0x0 ss:$0x1] =	vst.idx.msk $0xffff, v2  }
0x8a: {  	p1 =	seq.s32 s20, $0x4  }
.Ltmp2:
0x8b: {  	_ = 	snop;
	(pc) =	sbr.rel @!p1 .LBB2_3-.Ltmp2, $2  }
0x8c: {  	_ =	sdelay $0x2  }
0x8d: {  	p0 =	por !p0, !p0  }
0x8e: {  	s19 =	sadd.s32 $0x1, s19  }
0x8f: {  	p0 =	sne.s32 s19, s9  }
.Ltmp3:
0x90: {  	_ = 	snop;
	(pc) =	sbr.rel @p0 .LBB2_1-.Ltmp3, $4  }
0x91: {  	[hbm4b:s8+s4] =	stream.linear.scatter [tilespmem:s17], [sflag:$0x2], $0x200, $0x38;
	[tilespmem:$0x18800] =	vst v63  }
0x92: {  	_ =	swait.ge [sflag:s18], $0x200  }
0x93: {  	[sflag:s18] =	ssyncset.done $0x0  }
0x94: {  	[sflag:s18] =	ssyncadd.s32 $0xFFFFFE00  }
0x95: {  	_ =	sfence.sel $0x180000  }
0x96: {  	[bflag:$0x0] =	sbarrier.arrive $0xFFFF  }
0x97: {  	p0 =	sne.s32 s3, $0x0;
	_ =	strace $0x90000047  }
0x98: {  	s0 =	sadd.s32 @!p0 $0x100000, s0;
	[bflag:$0x2] =	sbarrier.arrive $0xFFFF  }
0x99: {  	[sflag:s0] =	ssyncadd.tile.s32 @!p0 $0x1;
	_ =	shalt  }
.Lfunc_end2:
_tile_overlayer_lowered:
.L_overlay_start_2:
0x9a: {  	(tag) =	ssettag $0x2  }
0x9b: {  	s0 =	rddreg [dreg:$0x0];
	s2 =	stileid.u32  }
0x9c: {  	s1 =	rddreg [dreg:$0x1];
	p0 =	sne.s32 s2, $0x0  }
0x9d: {  	s3 =	rddreg [dreg:$0x2];
	[bflag:$0x3] =	sbarrier.arrive $0xFFFF;
	s2 =	simm.s32 @!p0 $0x1C02  }
0x9e: {  	[timem:s3], [sflag:s2] =	dma.local @!p0 [hbm:s0], s1  }
0x9f: {  	s0 =	simm.s32 @!p0 $0x2  }
0xa0: {  	_ =	swait.ge @!p0 [sflag:s0], s1  }
0xa1: {  	s1 =	ssub.s32 @!p0 $0x0, s1;
	[sflag:s0] =	ssyncset.done @!p0 $0x0  }
0xa2: {  	[sflag:s0] =	ssyncadd.s32 @!p0 s1  }
0xa3: {  	[bflag:$0x3] =	sbarrier.arrive $0xFFFF  }
0xa4: {  	_ =	shalt  }

</sc_bundles>
